<compile_context>
chip_gen: v7x
topology: tpu7x:2x2x1
jax: 0.10.2.dev20260603
libtpu: 0.0.44.dev20260713+nightly
codegen_flags: <defaults>
</compile_context>

<pallas_src>
import functools
import jax
import jax.numpy as jnp
from jax import lax
from jax.experimental import pallas as pl
from jax.experimental.pallas import tpu as pltpu
from jax.experimental.pallas import tpu_sc as plsc

_SEQ = 2048
_D = 256
_NC = 2
_NS = 16
_LANES = 16
_S_BLK = 64


def _sc_gather(pos_embed):
    nw = _NC * _NS
    rows_per_w = _SEQ // nw

    mesh = plsc.VectorSubcoreMesh(core_axis_name="c", subcore_axis_name="s")

    half = rows_per_w // 2

    @functools.partial(
        pl.kernel,
        mesh=mesh,
        out_type=jax.ShapeDtypeStruct((_SEQ, _D), jnp.float32),
        scratch_types=[
            pltpu.VMEM((rows_per_w,), jnp.int32),
            pltpu.VMEM((half, _D), jnp.float32),
            pltpu.VMEM((half, _D), jnp.float32),
            pltpu.SemaphoreType.DMA,
            pltpu.SemaphoreType.DMA,
            pltpu.SemaphoreType.DMA,
            pltpu.SemaphoreType.DMA,
        ],
    )
    def gather_k(table_hbm, out_hbm, idx_v, rows0_v, rows1_v, g0, g1, o0, o1):
        wid = lax.axis_index("s") * _NC + lax.axis_index("c")
        base = wid * rows_per_w
        for c in range(rows_per_w // _LANES):
            idx_v[pl.ds(c * _LANES, _LANES)] = (
                base + c * _LANES + lax.iota(jnp.int32, _LANES)
            )
        h0 = pltpu.async_copy(table_hbm.at[idx_v.at[pl.ds(0, half)]], rows0_v, g0)
        h1 = pltpu.async_copy(table_hbm.at[idx_v.at[pl.ds(half, half)]], rows1_v, g1)
        h0.wait()
        w0 = pltpu.async_copy(rows0_v, out_hbm.at[pl.ds(base, half)], o0)
        h1.wait()
        w1 = pltpu.async_copy(rows1_v, out_hbm.at[pl.ds(base + half, half)], o1)
        w0.wait()
        w1.wait()

    return gather_k(pos_embed)


def _tc_body(pe_ref, out_ref):
    pe = pe_ref[...]
    out_ref[...] = jnp.broadcast_to(pe[:, None, :], out_ref.shape)


def kernel(z, pos_embed):
    batch = z.shape[1]
    rows = _sc_gather(pos_embed)
    out = pl.pallas_call(
        _tc_body,
        grid=(_SEQ // _S_BLK,),
        in_specs=[pl.BlockSpec((_S_BLK, _D), lambda i: (i, 0))],
        out_specs=pl.BlockSpec((_S_BLK, batch, _D), lambda i: (i, 0, 0)),
        out_shape=jax.ShapeDtypeStruct((_SEQ, batch, _D), z.dtype),
    )(rows)
    return out

# --- scband reference (transcript-rebuilt; emitter-appended) ---
"""Pipeline reference for scband-const-embedding-12584254177392 (READ-ONLY COPY).

The authoritative reference and input builder live on the scoring server;
editing this copy changes nothing except your own understanding.
"""

import jax, jax.numpy as jnp
import numpy as np

SEQ_LEN = 2048
D_MODEL = 256
BATCH = 128


def setup_inputs(seed: int = 0) -> dict:
    key = jax.random.key(seed)
    k1, k2 = jax.random.split(key)
    z = jax.random.normal(k1, (1, BATCH, D_MODEL), dtype=jnp.float32)
    # learned positional embedding LUT: nn.Embedding(max_len, d_model)
    pos_embed = jax.random.normal(k2, (SEQ_LEN, D_MODEL), dtype=jnp.float32) * 0.02
    return {"z": z, "pos_embed": pos_embed}


def reference(z, pos_embed):
    # ConstEmbedding.forward:
    #   N = z.size(1)
    #   src = PE(z.new_zeros(seq_len, N, d_model))
    # PositionalEncodingLUT.forward (eval mode, dropout = identity):
    #   pos = position[:x.size(0)]            # [seq_len, 1]
    #   x = x + pos_embed(pos)                # broadcast over batch dim
    N = z.shape[1]
    x = jnp.zeros((SEQ_LEN, N, D_MODEL), dtype=z.dtype)
    pos = jnp.arange(SEQ_LEN, dtype=jnp.int32)
    pe = jnp.take(pos_embed, pos, axis=0)  # [seq_len, d_model] embedding gather
    src = x + pe[:, None, :]
    return src

if __name__ == "__main__":
    import jax
    _d = setup_inputs()
    print(jax.jit(kernel)(*tuple(_d.values())))

</pallas_src>

<mosaic_0001>
#map = affine_map<(d0, d1) -> (0, 0)>
module attributes {stable_mosaic.version = 14 : i64} {
  func.func @gather_k(%arg0: i32, %arg1: i32, %arg2: memref<2048x256xf32, #tpu.memory_space<hbm>>, %arg3: memref<2048x256xf32, #tpu.memory_space<hbm>>, %arg4: memref<64xi32, #tpu.memory_space<vmem>>, %arg5: memref<32x256xf32, #tpu.memory_space<vmem>>, %arg6: memref<32x256xf32, #tpu.memory_space<vmem>>, %arg7: memref<!tpu.dma_semaphore, #tpu.memory_space<semaphore_mem>>, %arg8: memref<!tpu.dma_semaphore, #tpu.memory_space<semaphore_mem>>, %arg9: memref<!tpu.dma_semaphore, #tpu.memory_space<semaphore_mem>>, %arg10: memref<!tpu.dma_semaphore, #tpu.memory_space<semaphore_mem>>) attributes {dimension_semantics = [#tpu.dimension_semantics<core_parallel>, #tpu.dimension_semantics<subcore_parallel>], iteration_bounds = array<i64: 2, 16>, scalar_prefetch = 0 : i64, scratch_operands = 7 : i64, tpu.core_type = #tpu.core_type<sc_vector_subcore>, window_params = [{transform_indices = #map}, {transform_indices = #map}]} {
    %mul3A = arith.constant 2 : i32
    %mul3A_0 = arith.muli %arg1, %mul3A : i32
    %add3A = arith.addi %mul3A_0, %arg0 : i32
    %mul3A_1 = arith.constant 64 : i32
    %mul3A_2 = arith.muli %add3A, %mul3A_1 : i32
    %add3A_3 = arith.constant 0 : i32
    %add3A_4 = arith.addi %mul3A_2, %add3A_3 : i32
    %iota3A = tpu.iota {dimensions = array<i32: 0>} : vector<16xi32>
    %add3A_5 = vector.broadcast %add3A_4 : i32 to vector<16xi32>
    %add3A_6 = arith.addi %add3A_5, %iota3A : vector<16xi32>
    %swap3A = arith.constant 0 : index
    %swap3A_7 = tpu.vector_load %arg4[%swap3A] {strides = array<i32>} : memref<64xi32, #tpu.memory_space<vmem>>, vector<16xi32>,
    %swap3A_8 = vector.shape_cast %swap3A_7 : vector<16xi32> to vector<16xi32>
    %swap3A_9 = vector.shape_cast %add3A_6 : vector<16xi32> to vector<16xi32>
    tpu.vector_store %arg4[%swap3A], %swap3A_9 {strides = array<i32>} : memref<64xi32, #tpu.memory_space<vmem>>, vector<16xi32>,
    %add3A_10 = arith.constant 16 : i32
    %add3A_11 = arith.addi %mul3A_2, %add3A_10 : i32
    %iota3A_12 = tpu.iota {dimensions = array<i32: 0>} : vector<16xi32>
    %add3A_13 = vector.broadcast %add3A_11 : i32 to vector<16xi32>
    %add3A_14 = arith.addi %add3A_13, %iota3A_12 : vector<16xi32>
    %swap3A_15 = arith.constant 16 : index
    %swap3A_16 = tpu.vector_load %arg4[%swap3A_15] {strides = array<i32>} : memref<64xi32, #tpu.memory_space<vmem>>, vector<16xi32>,
    %swap3A_17 = vector.shape_cast %swap3A_16 : vector<16xi32> to vector<16xi32>
    %swap3A_18 = vector.shape_cast %add3A_14 : vector<16xi32> to vector<16xi32>
    tpu.vector_store %arg4[%swap3A_15], %swap3A_18 {strides = array<i32>} : memref<64xi32, #tpu.memory_space<vmem>>, vector<16xi32>,
    %add3A_19 = arith.constant 32 : i32
    %add3A_20 = arith.addi %mul3A_2, %add3A_19 : i32
    %iota3A_21 = tpu.iota {dimensions = array<i32: 0>} : vector<16xi32>
    %add3A_22 = vector.broadcast %add3A_20 : i32 to vector<16xi32>
    %add3A_23 = arith.addi %add3A_22, %iota3A_21 : vector<16xi32>
    %swap3A_24 = arith.constant 32 : index
    %swap3A_25 = tpu.vector_load %arg4[%swap3A_24] {strides = array<i32>} : memref<64xi32, #tpu.memory_space<vmem>>, vector<16xi32>,
    %swap3A_26 = vector.shape_cast %swap3A_25 : vector<16xi32> to vector<16xi32>
    %swap3A_27 = vector.shape_cast %add3A_23 : vector<16xi32> to vector<16xi32>
    tpu.vector_store %arg4[%swap3A_24], %swap3A_27 {strides = array<i32>} : memref<64xi32, #tpu.memory_space<vmem>>, vector<16xi32>,
    %add3A_28 = arith.constant 48 : i32
    %add3A_29 = arith.addi %mul3A_2, %add3A_28 : i32
    %iota3A_30 = tpu.iota {dimensions = array<i32: 0>} : vector<16xi32>
    %add3A_31 = vector.broadcast %add3A_29 : i32 to vector<16xi32>
    %add3A_32 = arith.addi %add3A_31, %iota3A_30 : vector<16xi32>
    %swap3A_33 = arith.constant 48 : index
    %swap3A_34 = tpu.vector_load %arg4[%swap3A_33] {strides = array<i32>} : memref<64xi32, #tpu.memory_space<vmem>>, vector<16xi32>,
    %swap3A_35 = vector.shape_cast %swap3A_34 : vector<16xi32> to vector<16xi32>
    %swap3A_36 = vector.shape_cast %add3A_32 : vector<16xi32> to vector<16xi32>
    tpu.vector_store %arg4[%swap3A_33], %swap3A_36 {strides = array<i32>} : memref<64xi32, #tpu.memory_space<vmem>>, vector<16xi32>,
    %dma_start3A = arith.constant 0 : i32
    %dma_start3A_37 = tpu.memref_slice %arg4[%dma_start3A] : memref<64xi32, #tpu.memory_space<vmem>> -> memref<32xi32, #tpu.memory_space<vmem>>
    %dma_start3A_38 = arith.constant 0 : i32
    %dma_start3A_39 = arith.constant 0 : i32
    %dma_start3A_40 = tpu.memref_slice %arg2[%dma_start3A_38, %dma_start3A_39] : memref<2048x256xf32, #tpu.memory_space<hbm>> -> memref<2048x256xf32, #tpu.memory_space<hbm>>
    tpu.enqueue_indirect_dma source(%dma_start3A_40 : memref<2048x256xf32, #tpu.memory_space<hbm>>) target(%arg5 : memref<32x256xf32, #tpu.memory_space<vmem>>) offsets(%dma_start3A_37 : memref<32xi32, #tpu.memory_space<vmem>>) semaphore(%arg7 : memref<!tpu.dma_semaphore, #tpu.memory_space<semaphore_mem>>)
    %dma_start3A_41 = arith.constant 32 : i32
    %dma_start3A_42 = tpu.memref_slice %arg4[%dma_start3A_41] : memref<64xi32, #tpu.memory_space<vmem>> -> memref<32xi32, #tpu.memory_space<vmem>>
    %dma_start3A_43 = arith.constant 0 : i32
    %dma_start3A_44 = arith.constant 0 : i32
    %dma_start3A_45 = tpu.memref_slice %arg2[%dma_start3A_43, %dma_start3A_44] : memref<2048x256xf32, #tpu.memory_space<hbm>> -> memref<2048x256xf32, #tpu.memory_space<hbm>>
    tpu.enqueue_indirect_dma source(%dma_start3A_45 : memref<2048x256xf32, #tpu.memory_space<hbm>>) target(%arg6 : memref<32x256xf32, #tpu.memory_space<vmem>>) offsets(%dma_start3A_42 : memref<32xi32, #tpu.memory_space<vmem>>) semaphore(%arg8 : memref<!tpu.dma_semaphore, #tpu.memory_space<semaphore_mem>>)
    %dma_wait3A = arith.constant 0 : i32
    %dma_wait3A_46 = tpu.memref_slice %arg4[%dma_wait3A] : memref<64xi32, #tpu.memory_space<vmem>> -> memref<32xi32, #tpu.memory_space<vmem>>
    %dma_wait3A_47 = arith.constant 0 : i32
    %dma_wait3A_48 = arith.constant 0 : i32
    %dma_wait3A_49 = tpu.memref_slice %arg2[%dma_wait3A_47, %dma_wait3A_48] : memref<2048x256xf32, #tpu.memory_space<hbm>> -> memref<2048x256xf32, #tpu.memory_space<hbm>>
    tpu.wait_indirect_dma semaphore(%arg7 : memref<!tpu.dma_semaphore, #tpu.memory_space<semaphore_mem>>) src(%dma_wait3A_49 : memref<2048x256xf32, #tpu.memory_space<hbm>>) dst(%arg5 : memref<32x256xf32, #tpu.memory_space<vmem>>)
    %dma_start3A_50 = arith.constant 0 : i32
    %dma_start3A_51 = tpu.memref_slice %arg3[%mul3A_2, %dma_start3A_50] : memref<2048x256xf32, #tpu.memory_space<hbm>> -> memref<32x256xf32, #tpu.memory_space<hbm>>
    %dma_start3A_52 = arith.constant 0 : i32
    %dma_start3A_53 = tpu.memref_slice %arg3[%mul3A_2, %dma_start3A_52] : memref<2048x256xf32, #tpu.memory_space<hbm>> -> memref<32x256xf32, #tpu.memory_space<hbm>>
    tpu.enqueue_dma source(%arg5 : memref<32x256xf32, #tpu.memory_space<vmem>>) target(%dma_start3A_53 : memref<32x256xf32, #tpu.memory_space<hbm>>) target_semaphore(%arg9 : memref<!tpu.dma_semaphore, #tpu.memory_space<semaphore_mem>>)
    %dma_wait3A_54 = arith.constant 32 : i32
    %dma_wait3A_55 = tpu.memref_slice %arg4[%dma_wait3A_54] : memref<64xi32, #tpu.memory_space<vmem>> -> memref<32xi32, #tpu.memory_space<vmem>>
    %dma_wait3A_56 = arith.constant 0 : i32
    %dma_wait3A_57 = arith.constant 0 : i32
    %dma_wait3A_58 = tpu.memref_slice %arg2[%dma_wait3A_56, %dma_wait3A_57] : memref<2048x256xf32, #tpu.memory_space<hbm>> -> memref<2048x256xf32, #tpu.memory_space<hbm>>
    tpu.wait_indirect_dma semaphore(%arg8 : memref<!tpu.dma_semaphore, #tpu.memory_space<semaphore_mem>>) src(%dma_wait3A_58 : memref<2048x256xf32, #tpu.memory_space<hbm>>) dst(%arg6 : memref<32x256xf32, #tpu.memory_space<vmem>>)
    %add3A_59 = arith.constant 32 : i32
    %add3A_60 = arith.addi %mul3A_2, %add3A_59 : i32
    %dma_start3A_61 = arith.constant 0 : i32
    %dma_start3A_62 = tpu.memref_slice %arg3[%add3A_60, %dma_start3A_61] : memref<2048x256xf32, #tpu.memory_space<hbm>> -> memref<32x256xf32, #tpu.memory_space<hbm>>
    %dma_start3A_63 = arith.constant 0 : i32
    %dma_start3A_64 = tpu.memref_slice %arg3[%add3A_60, %dma_start3A_63] : memref<2048x256xf32, #tpu.memory_space<hbm>> -> memref<32x256xf32, #tpu.memory_space<hbm>>
    tpu.enqueue_dma source(%arg6 : memref<32x256xf32, #tpu.memory_space<vmem>>) target(%dma_start3A_64 : memref<32x256xf32, #tpu.memory_space<hbm>>) target_semaphore(%arg10 : memref<!tpu.dma_semaphore, #tpu.memory_space<semaphore_mem>>)
    %dma_wait3A_65 = arith.constant 0 : i32
    %dma_wait3A_66 = tpu.memref_slice %arg3[%mul3A_2, %dma_wait3A_65] : memref<2048x256xf32, #tpu.memory_space<hbm>> -> memref<32x256xf32, #tpu.memory_space<hbm>>
    %dma_wait3A_67 = arith.constant 0 : i32
    %dma_wait3A_68 = tpu.memref_slice %arg3[%mul3A_2, %dma_wait3A_67] : memref<2048x256xf32, #tpu.memory_space<hbm>> -> memref<32x256xf32, #tpu.memory_space<hbm>>
    tpu.wait_dma2 semaphore(%arg9 : memref<!tpu.dma_semaphore, #tpu.memory_space<semaphore_mem>>) src(%arg5 : memref<32x256xf32, #tpu.memory_space<vmem>>) dst(%dma_wait3A_68 : memref<32x256xf32, #tpu.memory_space<hbm>>)
    %dma_wait3A_69 = arith.constant 0 : i32
    %dma_wait3A_70 = tpu.memref_slice %arg3[%add3A_60, %dma_wait3A_69] : memref<2048x256xf32, #tpu.memory_space<hbm>> -> memref<32x256xf32, #tpu.memory_space<hbm>>
    %dma_wait3A_71 = arith.constant 0 : i32
    %dma_wait3A_72 = tpu.memref_slice %arg3[%add3A_60, %dma_wait3A_71] : memref<2048x256xf32, #tpu.memory_space<hbm>> -> memref<32x256xf32, #tpu.memory_space<hbm>>
    tpu.wait_dma2 semaphore(%arg10 : memref<!tpu.dma_semaphore, #tpu.memory_space<semaphore_mem>>) src(%arg6 : memref<32x256xf32, #tpu.memory_space<vmem>>) dst(%dma_wait3A_72 : memref<32x256xf32, #tpu.memory_space<hbm>>)
    return
  }
}

module attributes {stable_mosaic.version = 14 : i64} {
  func.func @_tc_body(%arg0: i32, %arg1: memref<64x256xf32, #tpu.memory_space<vmem>>, %arg2: memref<64x128x256xf32, #tpu.memory_space<vmem>>) attributes {dimension_semantics = [#tpu.dimension_semantics<arbitrary>], iteration_bounds = array<i64: 32>, scalar_prefetch = 0 : i64, scratch_operands = 0 : i64, tpu.core_type = #tpu.core_type<tc>, window_params = [{transform_indices = @transform_0, window_bounds = array<i64: 64, 256>}, {transform_indices = @transform_1, window_bounds = array<i64: 64, 128, 256>}]} {
    %get3A = arith.constant 0 : index
    %get3A_0 = arith.constant 0 : index
    %get3A_1 = vector.load %arg1[%get3A, %get3A_0] : memref<64x256xf32, #tpu.memory_space<vmem>>, vector<64x256xf32>
    %broadcast_in_dim3A = vector.shape_cast %get3A_1 : vector<64x256xf32> to vector<64x1x256xf32>
    %broadcast_in_dim3A_2 = vector.shape_cast %broadcast_in_dim3A : vector<64x1x256xf32> to vector<64x1x256xf32>
    %broadcast_in_dim3A_3 = vector.broadcast %broadcast_in_dim3A_2 : vector<64x1x256xf32> to vector<64x128x256xf32>
    %swap3A = arith.constant 0 : index
    %swap3A_4 = arith.constant 0 : index
    %swap3A_5 = arith.constant 0 : index
    %swap3A_6 = vector.load %arg2[%swap3A, %swap3A_4, %swap3A_5] : memref<64x128x256xf32, #tpu.memory_space<vmem>>, vector<64x128x256xf32>
    tpu.vector_store %arg2[%swap3A, %swap3A_4, %swap3A_5], %broadcast_in_dim3A_3 {strides = array<i32>} : memref<64x128x256xf32, #tpu.memory_space<vmem>>, vector<64x128x256xf32>,
    return
  }
  func.func @transform_0(%arg0: i32) -> (i32, i32) {
    %c0_i32 = arith.constant 0 : i32
    %c0_i32_0 = arith.constant 0 : i32
    return %arg0, %c0_i32 : i32, i32
  }
  func.func @transform_1(%arg0: i32) -> (i32, i32, i32) {
    %c0_i32 = arith.constant 0 : i32
    %c0_i32_0 = arith.constant 0 : i32
    %c0_i32_1 = arith.constant 0 : i32
    return %arg0, %c0_i32, %c0_i32_0 : i32, i32, i32
  }
}

</mosaic_0001>

<sc_bundles>
// kernel: kernel.4.cloned.1.call-start
scs
__scs_entry_jumppad:
0x0: {  	(pc) =	sbr.rel $0x88, $3  }
0x1: {  	(tag) =	ssettag $0x0;
	lr =	simm.s32 $0x1  }
0x2: {  	[smem:$0x3FA0] =	sst lr;
	_ =	strace $0xD0000000  }
0x3: {  	_ = 	snop  }
0x4: {  	_ = 	snop  }
0x5: {  	_ = 	snop  }
0x6: {  	_ = 	snop  }
0x7: {  	_ = 	snop  }
__scs_overlays_trampoline_lowered:
0x8: {  	[smem:$0x3FAF] =	sst s0  }
0x9: {  	[smem:$0x3FB0] =	sst s1  }
0xa: {  	[smem:$0x3FB1] =	sst s2  }
0xb: {  	[smem:$0x3FB2] =	sst s3  }
0xc: {  	[smem:$0x3FB3] =	sst s4  }
0xd: {  	[smem:$0x3FB4] =	sst s5  }
0xe: {  	[smem:$0x3FB5] =	sst s6  }
0xf: {  	[smem:$0x3FB6] =	sst s7  }
0x10: {  	[smem:$0x3FB7] =	sst s8  }
0x11: {  	[smem:$0x3FB8] =	sst s9;
	s0 =	simm.s32 @!p0 $0x0  }
0x12: {  	s1 =	sld [smem:$0x3F9E];
	s0 =	simm.s32 @p0 $0x1  }
0x13: {  	[smem:$0x3FB9] =	sst s0;
	s0 =	simm.s32 @!p1 $0x0  }
0x14: {  	s2 =	sld [smem:$0x3F9D];
	s0 =	simm.s32 @p1 $0x1  }
0x15: {  	[smem:$0x3FBA] =	sst s0;
	s0 =	simm.s32 @!p2 $0x0  }
0x16: {  	s3 =	sld [smem:$0x3FDB];
	s0 =	simm.s32 @p2 $0x1  }
0x17: {  	s4 =	simm.s32 $0x1BF5;
	[smem:$0x3FBC] =	sst s0  }
0x18: {  	s0 =	sld [smem:$0x3F9F];
	_ =	swait.ge [sflag:s4], $0x0  }
0x19: {  	s7 =	sld [smem:$0x3FA0]  }
0x1a: {  	s8 =	sadd.s32 $0xFFFFE003, lr  }
0x1b: {  	s9 =	sadd.s32 $0xFFFFFEF7, lr;
	s5 =	simm.s32 $0xFFFFFFFF;
	p2 =	slt.u32 s8, $0xFFFFF086  }
0x1c: {  	p1 =	slt.u32 s9, $0xF7A;
	s5 =	simm.s32 @!p2 $0x0  }
0x1d: {  	s5 =	simm.s32 @p1 $0x1;
	p0 =	seq.s32 s7, s2  }
0x1e: {  	s7 =	smul.u32 @!p0 $0xF7A, s2;
	p2 =	seq.s32 @!p0 s5, $0x0  }
0x1f: {  	s9 =	smul.u32 $0xF7A, s1;
	s8 =	simm.s32 @!p0 $0x1BF5;
	p2 =	por !p2, p0  }
0x20: {  	[sflag:s8] =	ssyncset.s32 @!p0 $0xFFFFF086;
	s6 =	sadd.s32 @!p0 s3, s7;
	s7 =	simm.s32 @!p0 $0x108  }
0x21: {  	s3 =	sadd.s32 s3, s9;
	s6 =	sadd.s32 @!p0 $0x88, s6;
	s7 =	simm.s32 @p2 $0x1082  }
0x22: {  	[simem:s7], [sflag:s8] =	dma.local @!p0 [hbm:s6], $0xF7A  }
0x23: {  	s9 =	sor.u32 $0xD0000000, s2;
	s6 =	simm.s32 $0x108;
	_ =	swait.ge @!p0 [sflag:s8], $0x0  }
0x24: {  	s3 =	sadd.s32 $0x88, s3;
	s6 =	simm.s32 @!p1 $0x1082;
	[sflag:s4] =	ssyncset.s32 $0xFFFFF086  }
0x25: {  	[simem:s6], [sflag:s4] =	dma.local [hbm:s3], $0xF7A  }
0x26: {  	[smem:$0x3FA0] =	sst s1;
	(tag) =	ssettag s2;
	_ =	strace s9  }
0x27: {  	s1 =	sld [smem:$0x3FB0]  }
0x28: {  	s2 =	sld [smem:$0x3FB1]  }
0x29: {  	s4 =	sld [smem:$0x3FB3]  }
0x2a: {  	p0 =	seq.s32 s5, $0x0;
	s5 =	sld [smem:$0x3FB4]  }
0x2b: {  	s6 =	sld [smem:$0x3FB5]  }
0x2c: {  	s7 =	sld [smem:$0x3FB6]  }
0x2d: {  	s3 =	simm.s32 $0x108;
	s8 =	sld [smem:$0x3FB7]  }
0x2e: {  	s3 =	simm.s32 @!p0 $0x1082;
	s9 =	sld [smem:$0x3FB8]  }
0x2f: {  	lr =	sadd.s32 s0, s3;
	s0 =	sld [smem:$0x3FAF]  }
0x30: {  	s3 =	sld [smem:$0x3FB2]  }
0x31: {  	[smem:$0x3FBB] =	sst s10  }
0x32: {  	s10 =	sld [smem:$0x3FB9];
	_ =	sdelay $0x3  }
0x33: {  	p0 =	seq.s32 s10, $0x1;
	s10 =	sld [smem:$0x3FBB];
	_ =	sdelay $0x3  }
0x34: {  	[smem:$0x3FBB] =	sst s10  }
0x35: {  	s10 =	sld [smem:$0x3FBA];
	_ =	sdelay $0x3  }
0x36: {  	p1 =	seq.s32 s10, $0x1;
	s10 =	sld [smem:$0x3FBB];
	_ =	sdelay $0x3  }
0x37: {  	[smem:$0x3FBB] =	sst s10  }
0x38: {  	s10 =	sld [smem:$0x3FBC]  }
0x39: {  	_ = 	snop;
	(pc) =	sbr.ind lr, $3  }
0x3a: {  	_ = 	snop  }
0x3b: {  	_ = 	snop  }
0x3c: {  	p2 =	seq.s32 s10, $0x1;
	s10 =	sld [smem:$0x3FBB]  }
0x3d: {  	_ =	shalt  }
0x3e: {  	_ =	shalt  }
0x3f: {  	_ =	shalt  }
0x40: {  	_ =	shalt  }
0x41: {  	_ =	shalt  }
0x42: {  	_ =	shalt  }
0x43: {  	_ =	shalt  }
0x44: {  	_ =	shalt  }
0x45: {  	_ =	shalt  }
0x46: {  	_ =	shalt  }
0x47: {  	_ =	shalt  }
0x48: {  	_ =	shalt  }
0x49: {  	_ =	shalt  }
0x4a: {  	_ =	shalt  }
0x4b: {  	_ =	shalt  }
0x4c: {  	_ =	shalt  }
0x4d: {  	_ =	shalt  }
0x4e: {  	_ =	shalt  }
0x4f: {  	_ =	shalt  }
0x50: {  	_ =	shalt  }
0x51: {  	_ =	shalt  }
0x52: {  	_ =	shalt  }
0x53: {  	_ =	shalt  }
0x54: {  	_ =	shalt  }
0x55: {  	_ =	shalt  }
0x56: {  	_ =	shalt  }
0x57: {  	_ =	shalt  }
0x58: {  	_ =	shalt  }
0x59: {  	_ =	shalt  }
0x5a: {  	_ =	shalt  }
0x5b: {  	_ =	shalt  }
0x5c: {  	_ =	shalt  }
0x5d: {  	_ =	shalt  }
0x5e: {  	_ =	shalt  }
0x5f: {  	_ =	shalt  }
0x60: {  	_ =	shalt  }
0x61: {  	_ =	shalt  }
0x62: {  	_ =	shalt  }
0x63: {  	_ =	shalt  }
0x64: {  	_ =	shalt  }
0x65: {  	_ =	shalt  }
0x66: {  	_ =	shalt  }
0x67: {  	_ =	shalt  }
0x68: {  	_ =	shalt  }
0x69: {  	_ =	shalt  }
0x6a: {  	_ =	shalt  }
0x6b: {  	_ =	shalt  }
0x6c: {  	_ =	shalt  }
0x6d: {  	_ =	shalt  }
0x6e: {  	_ =	shalt  }
0x6f: {  	_ =	shalt  }
0x70: {  	_ =	shalt  }
0x71: {  	_ =	shalt  }
0x72: {  	_ =	shalt  }
0x73: {  	_ =	shalt  }
0x74: {  	_ =	shalt  }
0x75: {  	_ =	shalt  }
0x76: {  	_ =	shalt  }
0x77: {  	_ =	shalt  }
0x78: {  	_ =	shalt  }
0x79: {  	_ =	shalt  }
0x7a: {  	_ =	shalt  }
0x7b: {  	_ =	shalt  }
0x7c: {  	_ =	shalt  }
0x7d: {  	_ =	shalt  }
0x7e: {  	_ =	shalt  }
0x7f: {  	_ =	shalt  }
0x80: {  	_ =	shalt  }
0x81: {  	_ =	shalt  }
0x82: {  	_ =	shalt  }
0x83: {  	_ =	shalt  }
0x84: {  	_ =	shalt  }
0x85: {  	_ =	shalt  }
0x86: {  	_ =	shalt  }
0x87: {  	_ =	shalt  }
.Lfunc_end0:
.L_simem_size_0:
called_computation_lowered:
.L_overlay_start_0:
0x88: {  	s2 =	sld [smem:$0x3FD9]  }
0x89: {  	s3 =	sld [smem:$0x3FFE];
	_ =	sdelay $0x1  }
0x8a: {  	s1 =	srdreg.scid  }
0x8b: {  	s0 =	sand.u32 $0x1, s1  }
0x8c: {  	s18 =	sshll.u32 s0, $0xA;
	s2 =	sadd.s32 s3, s2  }
0x8d: {  	s2 =	sadd.s32 s2, s18  }
0x8e: {  	[smem:$0x3FC7] =	sst s2  }
0x8f: {  	_ = 	snop  }
0x90: {  	s2 =	sld [smem:$0x3FC9]  }
0x91: {  	s19 =	sld [smem:$0x3FD0];
	(tm) =	ssettm $0x1  }
0x92: {  	s4 =	sld [smem:$0x3FFB];
	_ =	sdelay $0x3  }
0x93: {  	_ =	strace s4  }
0x94: {  	s4 =	sld [smem:$0x3FFC];
	_ =	sdelay $0x3  }
0x95: {  	_ =	strace s4  }
0x96: {  	s4 =	sld [smem:$0x3FFD];
	_ =	sdelay $0x3  }
0x97: {  	_ =	strace s4  }
0x98: {  	_ =	strace $0x8FFFFFFF  }
0x99: {  	s20 =	sld [smem:$0x3FDB];
	_ =	sdelay $0x1  }
0x9a: {  	s5 =	simm.s32 $_scs_section_size  }
0x9b: {  	s6 =	simm.s32 $_size__tile_overlayer_lowered;
	s7 =	simm.s32 $_tile_overlayer_lowered  }
0x9c: {  	s23 =	simm.s32 $0x1BFF;
	s22 =	sshll.u32 s7, $0x1;
	s4 =	sadd.s32 s5, s20  }
0x9d: {  	s8 =	simm.s32 $0x0;
	s21 =	sshll.u32 s6, $0x1;
	s6 =	sadd.s32 s22, s4  }
0x9e: {  	[timem:s8], [sflag:s23] =	dma.local [hbm:s6], s21  }
0x9f: {  	_ =	swait.ge [sflag:s23], s21  }
0xa0: {  	s5 =	ssub.s32 $0x0, s21;
	[sflag:s23] =	ssyncset.done $0x0  }
0xa1: {  	[sflag:s23] =	ssyncadd.s32 s5;
	_ =	sdelay $0x1  }
0xa2: {  	s24 =	simm.s32 $0x1B8B  }
0xa3: {  	_ =	swait.ge [sflag:s24], $0x1  }
0xa4: {  	[sflag:s24] =	ssyncset.done $0x0  }
0xa5: {  	s25 =	simm.s32 $0x1B8E;
	[sflag:s24] =	ssyncadd.s32 $0xFFFFFFFF  }
0xa6: {  	s26 =	simm.s32 $execute0_lowered;
	[smem:$0x3FD2] =	sst s25  }
0xa7: {  	s5 =	sshll.u32 s26, $0x1;
	_ =	strace $0x80000046;
	[dreg:$0x1] =	wrdreg $0xFFFFFFFF  }
0xa8: {  	s28 =	simm.s32 $_size_execute0_lowered;
	s4 =	sadd.s32 s4, s5;
	[dreg:$0x0] =	wrdreg $0x0  }
0xa9: {  	s5 =	sshll.u32 s28, $0x1;
	[dreg:$0x2] =	wrdreg s4  }
0xaa: {  	[dreg:$0x3] =	wrdreg s5  }
0xab: {  	[dreg:$0x4] =	wrdreg $0xC0  }
0xac: {  	_ =	task [dreg:s8], $0x5FFFF  }
0xad: {  	[dreg:$0x1] =	wrdreg $0xFFFFFFFF  }
0xae: {  	[dreg:$0x0] =	wrdreg $0x60  }
0xaf: {  	[dreg:$0x2] =	wrdreg s2  }
0xb0: {  	[dreg:$0x3] =	wrdreg s19  }
0xb1: {  	[dreg:$0x4] =	wrdreg $0x9  }
0xb2: {  	_ =	task.clear_ibuf [dreg:s8], $0x5FFFF;
	_ =	strace $0x90000046  }
0xb3: {  	s29 =	simm.s32 $0x9;
	_ =	strace $0x80000048  }
0xb4: {  	_ =	swait.ge [sflag:s29], $0x1  }
0xb5: {  	[sflag:s29] =	ssyncadd.s32 $0xFFFFFFFF  }
0xb6: {  	_ =	strace $0x90000048  }
0xb7: {  	_ =	sfence  }
0xb8: {  	s30 =	sld [smem:$0x0];
	_ =	sdelay $0x2  }
0xb9: {  	s31 =	sshll.u32 s1, $0xD;
	s1 =	sshrl.u32 s1, $0x2  }
0xba: {  	s3 =	sand.u32 $0x4000, s31;
	s1 =	sadd.s32 s1, s30  }
0xbb: {  	s0 =	sor.u32 s3, s0;
	s1 =	sshll.u32 s1, $0x11  }
0xbc: {  	s0 =	sor.u32 s1, s0  }
0xbd: {  	s0 =	sadd.s32 $0x8F2B, s0  }
0xbe: {  	[sflag:s0] =	ssyncadd.remote.s32 $0x1  }
0xbf: {  	_ =	sfence.sel $0xFFFF  }
0xc0: {  	[dreg:$0x0] =	wrdreg $0xFFFFFFFF;
	(pc) =	sbr.abs _section_cstart, $3  }
0xc1: {  	[dreg:$0x1] =	wrdreg $0xFFFFFFFF  }
0xc2: {  	_ =	task.clear_ibuf [dreg:s8], $0x2FFFF;
	_ =	strace $0x9FFFFFFF  }
0xc3: {  	(tm) =	ssettm $0x7FFFFFFF  }
tec
execute0_lowered:
.L_overlay_start_1:
0x0: {  	(tag) =	ssettag $0x1  }
0x1: {  	s1 =	rddreg [dreg:$0x0]  }
0x2: {  	s5 =	rddreg [dreg:$0x1]  }
0x3: {  	s0 =	rddreg [dreg:$0x2];
	s3 =	simm.s32 $0x0;
	s4 =	srdreg.scid  }
0x4: {  	s2 =	stileid.u32;
	s9 =	simm.s32 $0x1080;
	s4 =	sand.u32 $0x1, s4  }
0x5: {  	s7 =	sshll.u32 s2, $0x7;
	s6 =	ssub.s32 $0x2, s4;
	s4 =	sshll.u32 s4, $0x6  }
0x6: {  	v6 =	vlaneseq.u32;
	s10 =	simm.s32 $0x1880;
	s11 =	simm.s32 $0x2080;
	s4 =	sor.u32 s4, s7  }
0x7: {  	s12 =	simm.s32 $0x2880;
	s16 =	simm.s32 $0x2;
	s17 =	simm.s32 $0x3;
	v0 =	vor.u32 s4, v6  }
0x8: {  	s18 =	simm.s32 $0x4;
	[smem:$0x7FF] =	sst s3;
	s8 =	sshrl.u32 s6, $0x1;
	v1 =	vshll.u32 v0, $0x1  }
0x9: {  	_ =	strace $0x80000047;
	s7 =	simm.s32 $0x80;
	s6 =	ssub.s32 s6, s8;
	v2 =	vand.u32 $0x7FFFFF90, v1;
	v1 =	vand.u32 $0x7, v6  }
0xa: {  	v3 =	vshrl.u32 v6, $0x3;
	s13 =	sor.u32 $0x10, s4;
	s14 =	sor.u32 $0x20, s4;
	s15 =	sor.u32 $0x30, s4;
	v4 =	vor.u32 v1, v2;
	v2 =	vor.u32 $0x8, v6  }
0xb: {  	v3 =	vmul.u32 $0x8, v3;
	s4 =	sshll.u32 s4, $0x5;
	s8 =	simm.s32 $0x880;
	s31 =	sshll.u32 s14, $0x5;
	v7 =	vperm.xlane v4, v1;
	v8 =	vperm.xlane v4, v2  }
0xc: {  	vm0 =	vmmov $0xffff;
	s4 =	sadd.s32 s5, s4;
	s6 =	smax.u32 s6, $0x1;
	v5 =	vor.u32 s14, v6;
	s14 =	simm.s32 $0x3880;
	v4 =	vor.u32 s13, v6  }
0xd: {  	s5 =	sadd.s32 s5, s31;
	v6 =	vor.u32 s15, v6;
	s13 =	simm.s32 $0x3080;
	s15 =	simm.s32 $0x1;
	v7 =	vadd.s32 v3, v7;
	v8 =	vadd.s32 v3, v8  }
.LBB2_1:
0xe: {  	[tilespmem:$0x0] =	vst v0  }
0xf: {  	[tilespmem:$0x10] =	vst v4  }
0x10: {  	[tilespmem:$0x20] =	vst v5  }
0x11: {  	[tilespmem:$0x30] =	vst v6  }
0x12: {  	[tilespmem:s7], [sflag:$0x1] =	stream.indirect_vreg.gather [hbm4b:s1+s3], $0x80, v7, vm0, $0xb8;
	[tilespmem:$0x4080] =	vst v63  }
0x13: {  	_ = 	snop  }
0x14: {  	[tilespmem:s8], [sflag:$0x1] =	stream.indirect_vreg.gather [hbm4b:s1+s3], $0x80, v8, vm0, $0xb8;
	[tilespmem:$0x4080] =	vst v63  }
0x15: {  	v9 =	vld [tilespmem:$0x10];
	_ =	sdelay $0x4  }
0x16: {  	v10 =	vshll.u32 v9, $0x1  }
0x17: {  	v9 =	vand.u32 $0x7, v9;
	v10 =	vand.u32 $0xFFFFFFF0, v10  }
0x18: {  	v9 =	vor.u32 v9, v10  }
0x19: {  	v10 =	vperm.xlane v9, v1;
	_ =	sdelay $0x1  }
0x1a: {  	v9 =	vperm.xlane v9, v2;
	v10 =	vadd.s32 v3, v10;
	_ =	sdelay $0x1  }
0x1b: {  	v9 =	vadd.s32 v3, v9;
	_ =	sdelay $0x2  }
0x1c: {  	[tilespmem:s9], [sflag:$0x1] =	stream.indirect_vreg.gather [hbm4b:s1+s3], $0x80, v10, vm0, $0xb8;
	[tilespmem:$0x4080] =	vst v63  }
0x1d: {  	_ = 	snop  }
0x1e: {  	[tilespmem:s10], [sflag:$0x1] =	stream.indirect_vreg.gather [hbm4b:s1+s3], $0x80, v9, vm0, $0xb8;
	[tilespmem:$0x4080] =	vst v63  }
0x1f: {  	v9 =	vld [tilespmem:$0x20];
	_ =	sdelay $0x4  }
0x20: {  	v10 =	vshll.u32 v9, $0x1  }
0x21: {  	v9 =	vand.u32 $0x7, v9;
	v10 =	vand.u32 $0xFFFFFFF0, v10  }
0x22: {  	v9 =	vor.u32 v9, v10  }
0x23: {  	v10 =	vperm.xlane v9, v1;
	_ =	sdelay $0x1  }
0x24: {  	v9 =	vperm.xlane v9, v2;
	v10 =	vadd.s32 v3, v10;
	_ =	sdelay $0x1  }
0x25: {  	v9 =	vadd.s32 v3, v9;
	_ =	sdelay $0x2  }
0x26: {  	[tilespmem:s11], [sflag:$0x2] =	stream.indirect_vreg.gather [hbm4b:s1+s3], $0x80, v10, vm0, $0xb8;
	[tilespmem:$0x4080] =	vst v63  }
0x27: {  	_ = 	snop  }
0x28: {  	[tilespmem:s12], [sflag:$0x2] =	stream.indirect_vreg.gather [hbm4b:s1+s3], $0x80, v9, vm0, $0xb8;
	[tilespmem:$0x4080] =	vst v63  }
0x29: {  	v9 =	vld [tilespmem:$0x30];
	_ =	sdelay $0x4  }
0x2a: {  	v10 =	vshll.u32 v9, $0x1  }
0x2b: {  	v9 =	vand.u32 $0x7, v9;
	v10 =	vand.u32 $0xFFFFFFF0, v10  }
0x2c: {  	v9 =	vor.u32 v9, v10  }
0x2d: {  	v10 =	vperm.xlane v9, v1;
	_ =	sdelay $0x1  }
0x2e: {  	v9 =	vperm.xlane v9, v2;
	v10 =	vadd.s32 v3, v10;
	_ =	sdelay $0x1  }
0x2f: {  	v9 =	vadd.s32 v3, v9;
	_ =	sdelay $0x2  }
0x30: {  	[tilespmem:s13], [sflag:$0x2] =	stream.indirect_vreg.gather [hbm4b:s1+s3], $0x80, v10, vm0, $0xb8;
	[tilespmem:$0x4080] =	vst v63  }
0x31: {  	_ = 	snop  }
0x32: {  	[tilespmem:s14], [sflag:$0x2] =	stream.indirect_vreg.gather [hbm4b:s1+s3], $0x80, v9, vm0, $0xb8;
	[tilespmem:$0x4080] =	vst v63  }
0x33: {  	_ =	swait.ge [sflag:s15], $0x2000  }
0x34: {  	[sflag:s15] =	ssyncset.done $0x0  }
0x35: {  	[sflag:s15] =	ssyncadd.s32 $0xFFFFE000  }
0x36: {  	[hbm4b:s4+s3] =	stream.linear.scatter [tilespmem:s7], [sflag:$0x3], $0x2000, $0x38;
	[tilespmem:$0x4080] =	vst v63  }
0x37: {  	_ =	swait.ge [sflag:s16], $0x2000  }
0x38: {  	[sflag:s16] =	ssyncset.done $0x0  }
0x39: {  	[sflag:s16] =	ssyncadd.s32 $0xFFFFE000  }
0x3a: {  	[hbm4b:s5+s3] =	stream.linear.scatter [tilespmem:s11], [sflag:$0x4], $0x2000, $0x38;
	[tilespmem:$0x4080] =	vst v63  }
0x3b: {  	p0 =	sne.s32 s6, $0x1;
	_ =	swait.ge [sflag:s17], $0x2000  }
.Ltmp0:
0x3c: {  	[sflag:s17] =	ssyncset.done $0x0;
	(pc) =	sbr.rel @p0 .LBB2_1-.Ltmp0, $4  }
0x3d: {  	[sflag:s17] =	ssyncadd.s32 $0xFFFFE000  }
0x3e: {  	_ =	swait.ge [sflag:s18], $0x2000  }
0x3f: {  	[sflag:s18] =	ssyncset.done $0x0  }
0x40: {  	s6 =	sadd.s32 $0xFFFFFFFF, s6;
	[sflag:s18] =	ssyncadd.s32 $0xFFFFE000  }
0x41: {  	_ =	sfence.sel $0x180000  }
0x42: {  	[bflag:$0x0] =	sbarrier.arrive $0xFFFF  }
0x43: {  	p0 =	sne.s32 s2, $0x0;
	_ =	strace $0x90000047  }
0x44: {  	s0 =	sadd.s32 @!p0 $0x100000, s0;
	[bflag:$0x2] =	sbarrier.arrive $0xFFFF  }
0x45: {  	[sflag:s0] =	ssyncadd.tile.s32 @!p0 $0x1;
	_ =	shalt  }
.Lfunc_end2:
_tile_overlayer_lowered:
.L_overlay_start_2:
0x46: {  	(tag) =	ssettag $0x2  }
0x47: {  	s0 =	rddreg [dreg:$0x0];
	s2 =	stileid.u32  }
0x48: {  	s1 =	rddreg [dreg:$0x1];
	p0 =	sne.s32 s2, $0x0  }
0x49: {  	s3 =	rddreg [dreg:$0x2];
	[bflag:$0x3] =	sbarrier.arrive $0xFFFF;
	s2 =	simm.s32 @!p0 $0x1C05  }
0x4a: {  	[timem:s3], [sflag:s2] =	dma.local @!p0 [hbm:s0], s1  }
0x4b: {  	s0 =	simm.s32 @!p0 $0x5  }
0x4c: {  	_ =	swait.ge @!p0 [sflag:s0], s1  }
0x4d: {  	s1 =	ssub.s32 @!p0 $0x0, s1;
	[sflag:s0] =	ssyncset.done @!p0 $0x0  }
0x4e: {  	[sflag:s0] =	ssyncadd.s32 @!p0 s1  }
0x4f: {  	[bflag:$0x3] =	sbarrier.arrive $0xFFFF  }
0x50: {  	_ =	shalt  }

</sc_bundles>
